<compile_context>
chip_gen: v7x
topology: tpu7x:2x2x1
jax: 0.10.2.dev20260603
libtpu: 0.0.44.dev20260713+nightly
codegen_flags: <defaults>
</compile_context>

<pallas_src>
import functools

import jax
import jax.numpy as jnp
from jax import lax
from jax.experimental import pallas as pl
from jax.experimental.pallas import tpu as pltpu
from jax.experimental.pallas import tpu_sc as plsc

N = 10000
N_PAD = 10240
ROW_BLK = 1024
DIM_H = 512
QD = 128
E = 160000
E_CHUNK = 128
E_CHUNKS = 1280
E_PAD = E_CHUNKS * E_CHUNK
PAD_NODE = 10200
SUB_ROWS = N_PAD // 16



def _mm_body(x_ref, w_ref, b_ref, o_ref, *, relu):
    acc = jnp.dot(x_ref[...], w_ref[...], preferred_element_type=jnp.float32)
    acc = acc + b_ref[...]
    if relu:
        acc = jnp.maximum(acc, 0.0)
    o_ref[...] = acc


@functools.partial(jax.jit, static_argnames=("relu",))
def _mm(x, w, b, relu=True):
    m, k = x.shape
    n = w.shape[1]
    return pl.pallas_call(
        functools.partial(_mm_body, relu=relu),
        grid=(m // ROW_BLK,),
        in_specs=[
            pl.BlockSpec((ROW_BLK, k), lambda i: (i, 0)),
            pl.BlockSpec((k, n), lambda i: (0, 0)),
            pl.BlockSpec((n,), lambda i: (0,)),
        ],
        out_specs=pl.BlockSpec((ROW_BLK, n), lambda i: (i, 0)),
        out_shape=jax.ShapeDtypeStruct((m, n), jnp.float32),
    )(x, w, b)


def _mm4_body(x0, x1, x2, x3, w_ref, b_ref, o_ref):
    acc = jnp.dot(x0[...], w_ref[0], preferred_element_type=jnp.float32)
    acc += jnp.dot(x1[...], w_ref[1], preferred_element_type=jnp.float32)
    acc += jnp.dot(x2[...], w_ref[2], preferred_element_type=jnp.float32)
    acc += jnp.dot(x3[...], w_ref[3], preferred_element_type=jnp.float32)
    o_ref[...] = jnp.maximum(acc + b_ref[...], 0.0)


@jax.jit
def _mm4(xs, w, b):
    w4 = w.reshape(4, DIM_H, DIM_H)
    return pl.pallas_call(
        _mm4_body,
        grid=(N_PAD // ROW_BLK,),
        in_specs=[pl.BlockSpec((ROW_BLK, DIM_H), lambda i: (i, 0))] * 4
        + [
            pl.BlockSpec((4, DIM_H, DIM_H), lambda i: (0, 0, 0)),
            pl.BlockSpec((DIM_H,), lambda i: (0,)),
        ],
        out_specs=pl.BlockSpec((ROW_BLK, DIM_H), lambda i: (i, 0)),
        out_shape=jax.ShapeDtypeStruct((N_PAD, DIM_H), jnp.float32),
    )(*xs, w4, b)


def _conv_mm_body(x_ref, w_ref, d_ref, o0, o1, o2, o3):
    h = jnp.dot(x_ref[...], w_ref[...], preferred_element_type=jnp.float32)
    h = h * d_ref[...]
    o0[...] = h[:, 0 * QD:1 * QD]
    o1[...] = h[:, 1 * QD:2 * QD]
    o2[...] = h[:, 2 * QD:3 * QD]
    o3[...] = h[:, 3 * QD:4 * QD]


@jax.jit
def _conv_mm(x, w, dinv):
    outs = [jax.ShapeDtypeStruct((N_PAD, QD), jnp.float32)] * 4
    return pl.pallas_call(
        _conv_mm_body,
        grid=(N_PAD // ROW_BLK,),
        in_specs=[
            pl.BlockSpec((ROW_BLK, DIM_H), lambda i: (i, 0)),
            pl.BlockSpec((DIM_H, DIM_H), lambda i: (0, 0)),
            pl.BlockSpec((ROW_BLK, 1), lambda i: (i, 0)),
        ],
        out_specs=[pl.BlockSpec((ROW_BLK, QD), lambda i: (i, 0))] * 4,
        out_shape=outs,
    )(x, w, dinv)


def _post_body(s0, s1, s2, s3, h0, h1, h2, h3, d_ref, b_ref, o_ref):
    s = jnp.concatenate([s0[...], s1[...], s2[...], s3[...]], axis=1)
    h = jnp.concatenate([h0[...], h1[...], h2[...], h3[...]], axis=1)
    o_ref[...] = jnp.maximum(d_ref[...] * (s + h) + b_ref[...], 0.0)


@jax.jit
def _post(ss, hs, dinv, b):
    return pl.pallas_call(
        _post_body,
        grid=(N_PAD // ROW_BLK,),
        in_specs=[pl.BlockSpec((ROW_BLK, QD), lambda i: (i, 0))] * 8
        + [
            pl.BlockSpec((ROW_BLK, 1), lambda i: (i, 0)),
            pl.BlockSpec((DIM_H,), lambda i: (0,)),
        ],
        out_specs=pl.BlockSpec((ROW_BLK, DIM_H), lambda i: (i, 0)),
        out_shape=jax.ShapeDtypeStruct((N_PAD, DIM_H), jnp.float32),
    )(*ss, *hs, dinv, b)



_MESH = plsc.VectorSubcoreMesh(core_axis_name="c", subcore_axis_name="s")


CPT = E_CHUNKS // 16
ZROWS = 64


def _fill_zeros(buf, nrows):
    def zrow(r, _):
        for j in range(8):
            buf[r, pl.ds(j * 16, 16)] = jnp.zeros((16,), jnp.float32)
        return 0
    lax.fori_loop(0, nrows, zrow, 0)


def _agg_body(h0, h1, h2, h3, src_r, dst_r, o0, o1, o2, o3,
              acc, src_t, dst_t, rows, zbuf, gsem, ssem, issrc, isdst):
    c = lax.axis_index("c")
    s = lax.axis_index("s")
    base = s * CPT
    _fill_zeros(zbuf, ZROWS)

    def quarter(h_ref, o_ref):
        def zacc(z, _):
            pltpu.sync_copy(zbuf,
                            acc.at[pl.ds(s * SUB_ROWS + z * ZROWS, ZROWS)])
            return 0
        lax.fori_loop(0, SUB_ROWS // ZROWS, zacc, 0)
        plsc.subcore_barrier()

        pltpu.sync_copy(src_r.at[pl.ds(base, 2)], src_t.at[pl.ds(0, 2)])
        pltpu.sync_copy(dst_r.at[pl.ds(base, 2)], dst_t.at[pl.ds(0, 2)])

        def chunk_fn(k, _):
            b = lax.rem(k, 2)
            q = lax.rem(k, 4)
            qn = lax.rem(k + 2, 4)

            @pl.when(k >= 2)
            def _():
                pltpu.make_async_copy(h_ref.at[pl.ds(0, E_CHUNK)],
                                      rows.at[b], ssem.at[b]).wait()

            @pl.when(k < CPT - 2)
            def _():
                pltpu.async_copy(src_r.at[base + k + 2], src_t.at[qn],
                                 issrc.at[qn])
                pltpu.async_copy(dst_r.at[base + k + 2], dst_t.at[qn],
                                 isdst.at[qn])

            @pl.when(k >= 2)
            def _():
                pltpu.make_async_copy(src_r.at[0], src_t.at[q],
                                      issrc.at[q]).wait()
                pltpu.make_async_copy(dst_r.at[0], dst_t.at[q],
                                      isdst.at[q]).wait()

            pltpu.async_copy(h_ref.at[src_t.at[q]], rows.at[b],
                             gsem.at[b]).wait()
            pltpu.async_copy(rows.at[b], acc.at[dst_t.at[q]],
                             ssem.at[b], add=True)
            return 0
        lax.fori_loop(0, CPT, chunk_fn, 0)
        for b in range(2):
            pltpu.make_async_copy(h_ref.at[pl.ds(0, E_CHUNK)],
                                  rows.at[b], ssem.at[b]).wait()
        plsc.subcore_barrier()
        pltpu.sync_copy(acc.at[pl.ds(s * SUB_ROWS, SUB_ROWS)],
                        o_ref.at[pl.ds(s * SUB_ROWS, SUB_ROWS)])
        plsc.subcore_barrier()

    @pl.when(c == 0)
    def _():
        quarter(h0, o0)
        quarter(h1, o1)

    @pl.when(c == 1)
    def _():
        quarter(h2, o2)
        quarter(h3, o3)


@jax.jit
def _agg(hs, src_r, dst_r):
    out = [jax.ShapeDtypeStruct((N_PAD, QD), jnp.float32)] * 4
    f = pl.kernel(
        _agg_body,
        out_type=out,
        mesh=_MESH,
        scratch_types=[
            pltpu.VMEM_SHARED((N_PAD, QD), jnp.float32),
            pltpu.VMEM((4, E_CHUNK), jnp.int32),
            pltpu.VMEM((4, E_CHUNK), jnp.int32),
            pltpu.VMEM((2, E_CHUNK, QD), jnp.float32),
            pltpu.VMEM((ZROWS, QD), jnp.float32),
            pltpu.SemaphoreType.DMA((2,)),
            pltpu.SemaphoreType.DMA((2,)),
            pltpu.SemaphoreType.DMA((4,)),
            pltpu.SemaphoreType.DMA((4,)),
        ],
    )
    return f(*hs, src_r, dst_r)


def _deg_body(dst_r, o_ref, acc, idx_d, ones, zbuf):
    c = lax.axis_index("c")
    s = lax.axis_index("s")

    def fill(r, _):
        ones[r, :] = jnp.ones((16,), jnp.float32)
        zbuf[r, :] = jnp.zeros((16,), jnp.float32)
        return 0
    lax.fori_loop(0, E_CHUNK, fill, 0)

    @pl.when(c == 0)
    def _():
        def zacc(z, _):
            pltpu.sync_copy(zbuf, acc.at[pl.ds(s * SUB_ROWS + z * 128, 128)])
            return 0
        lax.fori_loop(0, SUB_ROWS // 128, zacc, 0)
    plsc.subcore_barrier()

    @pl.when(c == 0)
    def _():
        def eloop(k, _):
            chunk = s * (E_CHUNKS // 16) + k
            pltpu.sync_copy(dst_r.at[chunk], idx_d.at[0])
            pltpu.sync_copy(ones, acc.at[idx_d.at[0]], add=True)
            return 0
        lax.fori_loop(0, E_CHUNKS // 16, eloop, 0)
    plsc.subcore_barrier()

    @pl.when(c == 0)
    def _():
        pltpu.sync_copy(acc.at[pl.ds(s * SUB_ROWS, SUB_ROWS)],
                        o_ref.at[pl.ds(s * SUB_ROWS, SUB_ROWS)])


@jax.jit
def _deg(dst_r):
    f = pl.kernel(
        _deg_body,
        out_type=jax.ShapeDtypeStruct((N_PAD, 16), jnp.float32),
        mesh=_MESH,
        scratch_types=[
            pltpu.VMEM_SHARED((N_PAD, 16), jnp.float32),
            pltpu.VMEM((1, E_CHUNK), jnp.int32),
            pltpu.VMEM((E_CHUNK, 16), jnp.float32),
            pltpu.VMEM((E_CHUNK, 16), jnp.float32),
        ],
    )
    return f(dst_r)



def kernel(x, edge_index, edge_attr, params):
    del edge_attr
    p = params
    src = edge_index[0].astype(jnp.int32)
    dst = edge_index[1].astype(jnp.int32)
    dst, src = lax.sort_key_val(dst, src)
    pad = jnp.full((E_PAD - E,), PAD_NODE, jnp.int32)
    src_r = jnp.concatenate([src, pad]).reshape(E_CHUNKS, E_CHUNK)
    dst_r = jnp.concatenate([dst, pad]).reshape(E_CHUNKS, E_CHUNK)

    degc = _deg(dst_r)
    dinv = lax.rsqrt(degc[:, 0:1] + 1.0)

    xp = jnp.zeros((N_PAD, x.shape[1]), jnp.float32).at[:N].set(x)
    h = _mm(xp, p['lin0_W'], p['lin0_b'])
    h = _mm(h, p['lin1_W'], p['lin1_b'])
    h = _mm(h, p['lin2_W'], p['lin2_b'])

    for i in range(3):
        outs = []
        cur = h
        for j in range(4):
            hq = _conv_mm(cur, p[f'conv{i}_{j}_W'], dinv)
            sq = _agg(hq, src_r, dst_r)
            cur = _post(sq, hq, dinv, p[f'conv{i}_{j}_b'])
            outs.append(cur)
        h = _mm4(outs, p[f'jk{i}_W'], p[f'jk{i}_b'])

    out = _mm(h, p['out_W'], p['out_b'], relu=False)
    return out[:N]

# --- scband reference (transcript-rebuilt; emitter-appended) ---
"""Pipeline reference for scband-graph-test-36928128811367 (READ-ONLY COPY).

The authoritative reference and input builder live on the scoring server;
editing this copy changes nothing except your own understanding.
"""

import jax, jax.numpy as jnp
import numpy as np

N_NODES = 10000
N_EDGES = 160000
DIM_IN = 256
DIM_H = 512
DIM_OUT = 256
D_EDGE = 16


def _init_params():
    key = jax.random.key(42)
    keys = jax.random.split(key, 64)
    ki = iter(range(64))

    def lin(k, fi, fo):
        k1, k2 = jax.random.split(k)
        s = 1.0 / np.sqrt(fi)
        W = jax.random.uniform(k1, (fi, fo), minval=-s, maxval=s, dtype=jnp.float32)
        b = jax.random.uniform(k2, (fo,), minval=-s, maxval=s, dtype=jnp.float32)
        return W, b

    p = {}
    p['lin0_W'], p['lin0_b'] = lin(keys[next(ki)], DIM_IN, 1024)
    p['lin1_W'], p['lin1_b'] = lin(keys[next(ki)], 1024, 1024)
    p['lin2_W'], p['lin2_b'] = lin(keys[next(ki)], 1024, DIM_H)
    for i in range(3):
        for j in range(4):
            p[f'conv{i}_{j}_W'], p[f'conv{i}_{j}_b'] = lin(keys[next(ki)], DIM_H, DIM_H)
        p[f'jk{i}_W'], p[f'jk{i}_b'] = lin(keys[next(ki)], 4 * DIM_H, DIM_H)
    p['out_W'], p['out_b'] = lin(keys[next(ki)], DIM_H, DIM_OUT)
    return p


def setup_inputs(seed: int = 0) -> dict:
    key = jax.random.key(seed)
    k1, k2, k3 = jax.random.split(key, 3)
    x = jax.random.normal(k1, (N_NODES, DIM_IN), dtype=jnp.float32)
    edge_index = jax.random.randint(k2, (2, N_EDGES), 0, N_NODES, dtype=jnp.int64)
    edge_attr = jax.random.normal(k3, (N_EDGES, D_EDGE), dtype=jnp.float32)
    params = _init_params()
    return {'x': x, 'edge_index': edge_index, 'edge_attr': edge_attr, 'params': params}


def _gcn_conv(x, src, dst, W, b):
    # GCNConv: D^{-1/2} (A + I) D^{-1/2} X W + b (self-loops already appended to src/dst)
    n = x.shape[0]
    deg = jnp.zeros((n,), x.dtype).at[dst].add(1.0)
    dinv = jnp.where(deg > 0, 1.0 / jnp.sqrt(deg), 0.0)
    norm = dinv[src] * dinv[dst]
    h = x @ W
    msg = h[src] * norm[:, None]
    out = jnp.zeros((n, h.shape[1]), x.dtype).at[dst].add(msg)
    return out + b


def _forward(x, edge_index, edge_attr, params):
    # edge_attr is accepted but unused, matching the torch module
    n = x.shape[0]
    loop = jnp.arange(n, dtype=edge_index.dtype)
    src = jnp.concatenate([edge_index[0], loop])
    dst = jnp.concatenate([edge_index[1], loop])
    x = jax.nn.relu(x @ params['lin0_W'] + params['lin0_b'])
    x = jax.nn.relu(x @ params['lin1_W'] + params['lin1_b'])
    x = jax.nn.relu(x @ params['lin2_W'] + params['lin2_b'])
    for i in range(3):
        xa = jax.nn.relu(_gcn_conv(x, src, dst, params[f'conv{i}_0_W'], params[f'conv{i}_0_b']))
        xb = jax.nn.relu(_gcn_conv(xa, src, dst, params[f'conv{i}_1_W'], params[f'conv{i}_1_b']))
        xc = jax.nn.relu(_gcn_conv(xb, src, dst, params[f'conv{i}_2_W'], params[f'conv{i}_2_b']))
        xd = jax.nn.relu(_gcn_conv(xc, src, dst, params[f'conv{i}_3_W'], params[f'conv{i}_3_b']))
        x = jnp.concatenate([xa, xb, xc, xd], axis=-1)  # JumpingKnowledge('cat')
        x = jax.nn.relu(x @ params[f'jk{i}_W'] + params[f'jk{i}_b'])
    return x @ params['out_W'] + params['out_b']


def reference(x, edge_index, edge_attr, params):
    return _forward(x, edge_index, edge_attr, params)

if __name__ == "__main__":
    import jax
    _d = setup_inputs()
    print(jax.jit(kernel)(*tuple(_d.values())))

</pallas_src>

<mosaic_0001>
#map = affine_map<(d0, d1) -> (0, 0)>
module attributes {stable_mosaic.version = 14 : i64} {
  func.func @_deg_body(%arg0: i32, %arg1: i32, %arg2: memref<1280x128xi32, #tpu.memory_space<hbm>>, %arg3: memref<10240x16xf32, #tpu.memory_space<hbm>>, %arg4: memref<10240x16xf32, #tpu.memory_space<vmem_shared>>, %arg5: memref<1x128xi32, #tpu.memory_space<vmem>>, %arg6: memref<128x16xf32, #tpu.memory_space<vmem>>, %arg7: memref<128x16xf32, #tpu.memory_space<vmem>>) attributes {dimension_semantics = [#tpu.dimension_semantics<core_parallel>, #tpu.dimension_semantics<subcore_parallel>], iteration_bounds = array<i64: 2, 16>, scalar_prefetch = 0 : i64, scratch_operands = 4 : i64, tpu.core_type = #tpu.core_type<sc_vector_subcore>, window_params = [{transform_indices = #map}, {transform_indices = #map}]} {
    %scan3A = arith.constant 0 : i32
    %scan3A_0 = arith.constant 0 : i32
    %scan3A_1 = arith.constant 128 : i32
    %scan3A_2 = arith.addi %scan3A_0, %scan3A_1 : i32
    %scan3A_3 = arith.constant 1 : i32
    %scan3A_4 = scf.for %scan3A_19 = %scan3A_0 to %scan3A_2 step %scan3A_3 iter_args(%scan3A_20 = %scan3A) -> (i32)  : i32 {
      %broadcast_in_dim3A = arith.constant 1.000000e+00 : f32
      %broadcast_in_dim3A_21 = vector.broadcast %broadcast_in_dim3A : f32 to vector<16xf32>
      %swap3A = arith.index_cast %scan3A_19 : i32 to index
      %swap3A_22 = arith.constant 0 : index
      %swap3A_23 = tpu.vector_load %arg6[%swap3A, %swap3A_22] {strides = array<i32>} : memref<128x16xf32, #tpu.memory_space<vmem>>, vector<1x16xf32>,
      %swap3A_24 = vector.shape_cast %swap3A_23 : vector<1x16xf32> to vector<16xf32>
      %swap3A_25 = vector.shape_cast %broadcast_in_dim3A_21 : vector<16xf32> to vector<1x16xf32>
      tpu.vector_store %arg6[%swap3A, %swap3A_22], %swap3A_25 {strides = array<i32>} : memref<128x16xf32, #tpu.memory_space<vmem>>, vector<1x16xf32>,
      %broadcast_in_dim3A_26 = arith.constant 0.000000e+00 : f32
      %broadcast_in_dim3A_27 = vector.broadcast %broadcast_in_dim3A_26 : f32 to vector<16xf32>
      %swap3A_28 = arith.index_cast %scan3A_19 : i32 to index
      %swap3A_29 = arith.constant 0 : index
      %swap3A_30 = tpu.vector_load %arg7[%swap3A_28, %swap3A_29] {strides = array<i32>} : memref<128x16xf32, #tpu.memory_space<vmem>>, vector<1x16xf32>,
      %swap3A_31 = vector.shape_cast %swap3A_30 : vector<1x16xf32> to vector<16xf32>
      %swap3A_32 = vector.shape_cast %broadcast_in_dim3A_27 : vector<16xf32> to vector<1x16xf32>
      tpu.vector_store %arg7[%swap3A_28, %swap3A_29], %swap3A_32 {strides = array<i32>} : memref<128x16xf32, #tpu.memory_space<vmem>>, vector<1x16xf32>,
      %scan3A_33 = arith.constant 0 : i32
      scf.yield %scan3A_33 : i32
    }
    %scan3A_5 = arith.constant 128 : i32
    %eq3A = arith.constant 0 : i32
    %eq3A_6 = arith.cmpi eq, %arg0, %eq3A : i32
    %convert_element_type3A = arith.extui %eq3A_6 : i1 to i32
    %cond3A = arith.constant 0 : i32
    %cond3A_7 = arith.cmpi ne, %convert_element_type3A, %cond3A : i32
    scf.if %cond3A_7 {
      %scan3A_19 = arith.constant 0 : i32
      %scan3A_20 = arith.constant 0 : i32
      %scan3A_21 = arith.constant 5 : i32
      %scan3A_22 = arith.addi %scan3A_20, %scan3A_21 : i32
      %scan3A_23 = arith.constant 1 : i32
      %scan3A_24 = scf.for %scan3A_26 = %scan3A_20 to %scan3A_22 step %scan3A_23 iter_args(%scan3A_27 = %scan3A_19) -> (i32)  : i32 {
        %mul3A = arith.constant 640 : i32
        %mul3A_28 = arith.muli %arg1, %mul3A : i32
        %mul3A_29 = arith.constant 128 : i32
        %mul3A_30 = arith.muli %scan3A_26, %mul3A_29 : i32
        %add3A = arith.addi %mul3A_28, %mul3A_30 : i32
        "tpu.region"() ({
          %run_scoped3A = tpu.sem_alloc : memref<!tpu.dma_semaphore, #tpu.memory_space<semaphore_mem>>
          %dma_start3A = arith.constant 0 : i32
          %dma_start3A_32 = tpu.memref_slice %arg4[%add3A, %dma_start3A] : memref<10240x16xf32, #tpu.memory_space<vmem_shared>> -> memref<128x16xf32, #tpu.memory_space<vmem_shared>>
          %dma_start3A_33 = arith.constant 0 : i32
          %dma_start3A_34 = tpu.memref_slice %arg4[%add3A, %dma_start3A_33] : memref<10240x16xf32, #tpu.memory_space<vmem_shared>> -> memref<128x16xf32, #tpu.memory_space<vmem_shared>>
          tpu.enqueue_dma source(%arg7 : memref<128x16xf32, #tpu.memory_space<vmem>>) target(%dma_start3A_34 : memref<128x16xf32, #tpu.memory_space<vmem_shared>>) target_semaphore(%run_scoped3A : memref<!tpu.dma_semaphore, #tpu.memory_space<semaphore_mem>>)
          %dma_wait3A = arith.constant 0 : i32
          %dma_wait3A_35 = tpu.memref_slice %arg4[%add3A, %dma_wait3A] : memref<10240x16xf32, #tpu.memory_space<vmem_shared>> -> memref<128x16xf32, #tpu.memory_space<vmem_shared>>
          %dma_wait3A_36 = arith.constant 0 : i32
          %dma_wait3A_37 = tpu.memref_slice %arg4[%add3A, %dma_wait3A_36] : memref<10240x16xf32, #tpu.memory_space<vmem_shared>> -> memref<128x16xf32, #tpu.memory_space<vmem_shared>>
          tpu.wait_dma2 semaphore(%run_scoped3A : memref<!tpu.dma_semaphore, #tpu.memory_space<semaphore_mem>>) src(%arg7 : memref<128x16xf32, #tpu.memory_space<vmem>>) dst(%dma_wait3A_37 : memref<128x16xf32, #tpu.memory_space<vmem_shared>>)
          tpu.yield
        }) : () -> ()
        %scan3A_31 = arith.constant 0 : i32
        scf.yield %scan3A_31 : i32
      }
      %scan3A_25 = arith.constant 5 : i32
    } else {
    }
    %barrier3A = arith.constant 0 : index
    tpu.barrier barrier_id(%barrier3A)
    %eq3A_8 = arith.constant 0 : i32
    %eq3A_9 = arith.cmpi eq, %arg0, %eq3A_8 : i32
    %convert_element_type3A_10 = arith.extui %eq3A_9 : i1 to i32
    %cond3A_11 = arith.constant 0 : i32
    %cond3A_12 = arith.cmpi ne, %convert_element_type3A_10, %cond3A_11 : i32
    scf.if %cond3A_12 {
      %scan3A_19 = arith.constant 0 : i32
      %scan3A_20 = arith.constant 0 : i32
      %scan3A_21 = arith.constant 80 : i32
      %scan3A_22 = arith.addi %scan3A_20, %scan3A_21 : i32
      %scan3A_23 = arith.constant 1 : i32
      %scan3A_24 = scf.for %scan3A_26 = %scan3A_20 to %scan3A_22 step %scan3A_23 iter_args(%scan3A_27 = %scan3A_19) -> (i32)  : i32 {
        %mul3A = arith.constant 80 : i32
        %mul3A_28 = arith.muli %arg1, %mul3A : i32
        %add3A = arith.addi %mul3A_28, %scan3A_26 : i32
        %run_scoped3A = arith.constant 0 : i32
        "tpu.region"() ({
          %run_scoped3A_31 = tpu.sem_alloc : memref<!tpu.dma_semaphore, #tpu.memory_space<semaphore_mem>>
          %dma_start3A = arith.constant 0 : i32
          %dma_start3A_32 = tpu.memref_slice %arg5[%run_scoped3A, %dma_start3A] : memref<1x128xi32, #tpu.memory_space<vmem>> -> memref<1x128xi32, #tpu.memory_space<vmem>>
          %dma_start3A_33 = tpu.memref_squeeze %dma_start3A_32 : memref<1x128xi32, #tpu.memory_space<vmem>> -> memref<128xi32, #tpu.memory_space<vmem>>
          %dma_start3A_34 = arith.constant 0 : i32
          %dma_start3A_35 = tpu.memref_slice %arg2[%add3A, %dma_start3A_34] : memref<1280x128xi32, #tpu.memory_space<hbm>> -> memref<1x128xi32, #tpu.memory_space<hbm>>
          %dma_start3A_36 = tpu.memref_squeeze %dma_start3A_35 : memref<1x128xi32, #tpu.memory_space<hbm>> -> memref<128xi32, #tpu.memory_space<hbm>>
          %dma_start3A_37 = arith.constant 0 : i32
          %dma_start3A_38 = tpu.memref_slice %arg5[%run_scoped3A, %dma_start3A_37] : memref<1x128xi32, #tpu.memory_space<vmem>> -> memref<1x128xi32, #tpu.memory_space<vmem>>
          %dma_start3A_39 = tpu.memref_squeeze %dma_start3A_38 : memref<1x128xi32, #tpu.memory_space<vmem>> -> memref<128xi32, #tpu.memory_space<vmem>>
          %dma_start3A_40 = arith.constant 0 : i32
          %dma_start3A_41 = tpu.memref_slice %arg2[%add3A, %dma_start3A_40] : memref<1280x128xi32, #tpu.memory_space<hbm>> -> memref<1x128xi32, #tpu.memory_space<hbm>>
          %dma_start3A_42 = tpu.memref_squeeze %dma_start3A_41 : memref<1x128xi32, #tpu.memory_space<hbm>> -> memref<128xi32, #tpu.memory_space<hbm>>
          tpu.enqueue_dma source(%dma_start3A_42 : memref<128xi32, #tpu.memory_space<hbm>>) target(%dma_start3A_39 : memref<128xi32, #tpu.memory_space<vmem>>) target_semaphore(%run_scoped3A_31 : memref<!tpu.dma_semaphore, #tpu.memory_space<semaphore_mem>>)
          %dma_wait3A = arith.constant 0 : i32
          %dma_wait3A_43 = tpu.memref_slice %arg5[%run_scoped3A, %dma_wait3A] : memref<1x128xi32, #tpu.memory_space<vmem>> -> memref<1x128xi32, #tpu.memory_space<vmem>>
          %dma_wait3A_44 = tpu.memref_squeeze %dma_wait3A_43 : memref<1x128xi32, #tpu.memory_space<vmem>> -> memref<128xi32, #tpu.memory_space<vmem>>
          %dma_wait3A_45 = arith.constant 0 : i32
          %dma_wait3A_46 = tpu.memref_slice %arg2[%add3A, %dma_wait3A_45] : memref<1280x128xi32, #tpu.memory_space<hbm>> -> memref<1x128xi32, #tpu.memory_space<hbm>>
          %dma_wait3A_47 = tpu.memref_squeeze %dma_wait3A_46 : memref<1x128xi32, #tpu.memory_space<hbm>> -> memref<128xi32, #tpu.memory_space<hbm>>
          %dma_wait3A_48 = arith.constant 0 : i32
          %dma_wait3A_49 = tpu.memref_slice %arg5[%run_scoped3A, %dma_wait3A_48] : memref<1x128xi32, #tpu.memory_space<vmem>> -> memref<1x128xi32, #tpu.memory_space<vmem>>
          %dma_wait3A_50 = tpu.memref_squeeze %dma_wait3A_49 : memref<1x128xi32, #tpu.memory_space<vmem>> -> memref<128xi32, #tpu.memory_space<vmem>>
          %dma_wait3A_51 = arith.constant 0 : i32
          %dma_wait3A_52 = tpu.memref_slice %arg2[%add3A, %dma_wait3A_51] : memref<1280x128xi32, #tpu.memory_space<hbm>> -> memref<1x128xi32, #tpu.memory_space<hbm>>
          %dma_wait3A_53 = tpu.memref_squeeze %dma_wait3A_52 : memref<1x128xi32, #tpu.memory_space<hbm>> -> memref<128xi32, #tpu.memory_space<hbm>>
          tpu.wait_dma2 semaphore(%run_scoped3A_31 : memref<!tpu.dma_semaphore, #tpu.memory_space<semaphore_mem>>) src(%dma_wait3A_53 : memref<128xi32, #tpu.memory_space<hbm>>) dst(%dma_wait3A_50 : memref<128xi32, #tpu.memory_space<vmem>>)
          tpu.yield
        }) : () -> ()
        %run_scoped3A_29 = arith.constant 0 : i32
        "tpu.region"() ({
          %run_scoped3A_31 = tpu.sem_alloc : memref<!tpu.dma_semaphore, #tpu.memory_space<semaphore_mem>>
          %dma_start3A = arith.constant 0 : i32
          %dma_start3A_32 = tpu.memref_slice %arg5[%run_scoped3A_29, %dma_start3A] : memref<1x128xi32, #tpu.memory_space<vmem>> -> memref<1x128xi32, #tpu.memory_space<vmem>>
          %dma_start3A_33 = tpu.memref_squeeze %dma_start3A_32 : memref<1x128xi32, #tpu.memory_space<vmem>> -> memref<128xi32, #tpu.memory_space<vmem>>
          %dma_start3A_34 = arith.constant 0 : i32
          %dma_start3A_35 = arith.constant 0 : i32
          %dma_start3A_36 = tpu.memref_slice %arg4[%dma_start3A_34, %dma_start3A_35] : memref<10240x16xf32, #tpu.memory_space<vmem_shared>> -> memref<10240x16xf32, #tpu.memory_space<vmem_shared>>
          tpu.enqueue_indirect_dma source(%arg6 : memref<128x16xf32, #tpu.memory_space<vmem>>) target(%dma_start3A_36 : memref<10240x16xf32, #tpu.memory_space<vmem_shared>>) offsets(%dma_start3A_33 : memref<128xi32, #tpu.memory_space<vmem>>) semaphore(%run_scoped3A_31 : memref<!tpu.dma_semaphore, #tpu.memory_space<semaphore_mem>>) {add = true}
          %dma_wait3A = arith.constant 0 : i32
          %dma_wait3A_37 = tpu.memref_slice %arg5[%run_scoped3A_29, %dma_wait3A] : memref<1x128xi32, #tpu.memory_space<vmem>> -> memref<1x128xi32, #tpu.memory_space<vmem>>
          %dma_wait3A_38 = tpu.memref_squeeze %dma_wait3A_37 : memref<1x128xi32, #tpu.memory_space<vmem>> -> memref<128xi32, #tpu.memory_space<vmem>>
          %dma_wait3A_39 = arith.constant 0 : i32
          %dma_wait3A_40 = arith.constant 0 : i32
          %dma_wait3A_41 = tpu.memref_slice %arg4[%dma_wait3A_39, %dma_wait3A_40] : memref<10240x16xf32, #tpu.memory_space<vmem_shared>> -> memref<10240x16xf32, #tpu.memory_space<vmem_shared>>
          tpu.wait_indirect_dma semaphore(%run_scoped3A_31 : memref<!tpu.dma_semaphore, #tpu.memory_space<semaphore_mem>>) src(%arg6 : memref<128x16xf32, #tpu.memory_space<vmem>>) dst(%dma_wait3A_41 : memref<10240x16xf32, #tpu.memory_space<vmem_shared>>)
          tpu.yield
        }) : () -> ()
        %scan3A_30 = arith.constant 0 : i32
        scf.yield %scan3A_30 : i32
      }
      %scan3A_25 = arith.constant 80 : i32
    } else {
    }
    %barrier3A_13 = arith.constant 0 : index
    tpu.barrier barrier_id(%barrier3A_13)
    %eq3A_14 = arith.constant 0 : i32
    %eq3A_15 = arith.cmpi eq, %arg0, %eq3A_14 : i32
    %convert_element_type3A_16 = arith.extui %eq3A_15 : i1 to i32
    %cond3A_17 = arith.constant 0 : i32
    %cond3A_18 = arith.cmpi ne, %convert_element_type3A_16, %cond3A_17 : i32
    scf.if %cond3A_18 {
      %mul3A = arith.constant 640 : i32
      %mul3A_19 = arith.muli %arg1, %mul3A : i32
      %mul3A_20 = arith.constant 640 : i32
      %mul3A_21 = arith.muli %arg1, %mul3A_20 : i32
      "tpu.region"() ({
        %run_scoped3A = tpu.sem_alloc : memref<!tpu.dma_semaphore, #tpu.memory_space<semaphore_mem>>
        %dma_start3A = arith.constant 0 : i32
        %dma_start3A_22 = tpu.memref_slice %arg3[%mul3A_21, %dma_start3A] : memref<10240x16xf32, #tpu.memory_space<hbm>> -> memref<640x16xf32, #tpu.memory_space<hbm>>
        %dma_start3A_23 = arith.constant 0 : i32
        %dma_start3A_24 = tpu.memref_slice %arg4[%mul3A_19, %dma_start3A_23] : memref<10240x16xf32, #tpu.memory_space<vmem_shared>> -> memref<640x16xf32, #tpu.memory_space<vmem_shared>>
        tpu.enqueue_dma source(%dma_start3A_24 : memref<640x16xf32, #tpu.memory_space<vmem_shared>>) target(%dma_start3A_22 : memref<640x16xf32, #tpu.memory_space<hbm>>) target_semaphore(%run_scoped3A : memref<!tpu.dma_semaphore, #tpu.memory_space<semaphore_mem>>)
        %dma_wait3A = arith.constant 0 : i32
        %dma_wait3A_25 = tpu.memref_slice %arg3[%mul3A_21, %dma_wait3A] : memref<10240x16xf32, #tpu.memory_space<hbm>> -> memref<640x16xf32, #tpu.memory_space<hbm>>
        %dma_wait3A_26 = arith.constant 0 : i32
        %dma_wait3A_27 = tpu.memref_slice %arg4[%mul3A_19, %dma_wait3A_26] : memref<10240x16xf32, #tpu.memory_space<vmem_shared>> -> memref<640x16xf32, #tpu.memory_space<vmem_shared>>
        tpu.wait_dma2 semaphore(%run_scoped3A : memref<!tpu.dma_semaphore, #tpu.memory_space<semaphore_mem>>) src(%dma_wait3A_27 : memref<640x16xf32, #tpu.memory_space<vmem_shared>>) dst(%dma_wait3A_25 : memref<640x16xf32, #tpu.memory_space<hbm>>)
        tpu.yield
      }) : () -> ()
    } else {
    }
    return
  }
}

</mosaic_0001>

<sc_bundles>
// kernel: _deg.3.cloned.1.call-start
scs
__scs_entry_jumppad:
0x0: {  	(pc) =	sbr.rel $0x88, $3  }
0x1: {  	(tag) =	ssettag $0x0;
	lr =	simm.s32 $0x1  }
0x2: {  	[smem:$0x3FA0] =	sst lr;
	_ =	strace $0xD0000000  }
0x3: {  	_ = 	snop  }
0x4: {  	_ = 	snop  }
0x5: {  	_ = 	snop  }
0x6: {  	_ = 	snop  }
0x7: {  	_ = 	snop  }
__scs_overlays_trampoline_lowered:
0x8: {  	[smem:$0x3FAF] =	sst s0  }
0x9: {  	[smem:$0x3FB0] =	sst s1  }
0xa: {  	[smem:$0x3FB1] =	sst s2  }
0xb: {  	[smem:$0x3FB2] =	sst s3  }
0xc: {  	[smem:$0x3FB3] =	sst s4  }
0xd: {  	[smem:$0x3FB4] =	sst s5  }
0xe: {  	[smem:$0x3FB5] =	sst s6  }
0xf: {  	[smem:$0x3FB6] =	sst s7  }
0x10: {  	[smem:$0x3FB7] =	sst s8  }
0x11: {  	[smem:$0x3FB8] =	sst s9;
	s0 =	simm.s32 @!p0 $0x0  }
0x12: {  	s1 =	sld [smem:$0x3F9E];
	s0 =	simm.s32 @p0 $0x1  }
0x13: {  	[smem:$0x3FB9] =	sst s0;
	s0 =	simm.s32 @!p1 $0x0  }
0x14: {  	s2 =	sld [smem:$0x3F9D];
	s0 =	simm.s32 @p1 $0x1  }
0x15: {  	[smem:$0x3FBA] =	sst s0;
	s0 =	simm.s32 @!p2 $0x0  }
0x16: {  	s3 =	sld [smem:$0x3FDB];
	s0 =	simm.s32 @p2 $0x1  }
0x17: {  	s4 =	simm.s32 $0x1BF5;
	[smem:$0x3FBC] =	sst s0  }
0x18: {  	s0 =	sld [smem:$0x3F9F];
	_ =	swait.ge [sflag:s4], $0x0  }
0x19: {  	s7 =	sld [smem:$0x3FA0]  }
0x1a: {  	s8 =	sadd.s32 $0xFFFFE003, lr  }
0x1b: {  	s9 =	sadd.s32 $0xFFFFFEF7, lr;
	s5 =	simm.s32 $0xFFFFFFFF;
	p2 =	slt.u32 s8, $0xFFFFF086  }
0x1c: {  	p1 =	slt.u32 s9, $0xF7A;
	s5 =	simm.s32 @!p2 $0x0  }
0x1d: {  	s5 =	simm.s32 @p1 $0x1;
	p0 =	seq.s32 s7, s2  }
0x1e: {  	s7 =	smul.u32 @!p0 $0xF7A, s2;
	p2 =	seq.s32 @!p0 s5, $0x0  }
0x1f: {  	s9 =	smul.u32 $0xF7A, s1;
	s8 =	simm.s32 @!p0 $0x1BF5;
	p2 =	por !p2, p0  }
0x20: {  	[sflag:s8] =	ssyncset.s32 @!p0 $0xFFFFF086;
	s6 =	sadd.s32 @!p0 s3, s7;
	s7 =	simm.s32 @!p0 $0x108  }
0x21: {  	s3 =	sadd.s32 s3, s9;
	s6 =	sadd.s32 @!p0 $0x88, s6;
	s7 =	simm.s32 @p2 $0x1082  }
0x22: {  	[simem:s7], [sflag:s8] =	dma.local @!p0 [hbm:s6], $0xF7A  }
0x23: {  	s9 =	sor.u32 $0xD0000000, s2;
	s6 =	simm.s32 $0x108;
	_ =	swait.ge @!p0 [sflag:s8], $0x0  }
0x24: {  	s3 =	sadd.s32 $0x88, s3;
	s6 =	simm.s32 @!p1 $0x1082;
	[sflag:s4] =	ssyncset.s32 $0xFFFFF086  }
0x25: {  	[simem:s6], [sflag:s4] =	dma.local [hbm:s3], $0xF7A  }
0x26: {  	[smem:$0x3FA0] =	sst s1;
	(tag) =	ssettag s2;
	_ =	strace s9  }
0x27: {  	s1 =	sld [smem:$0x3FB0]  }
0x28: {  	s2 =	sld [smem:$0x3FB1]  }
0x29: {  	s4 =	sld [smem:$0x3FB3]  }
0x2a: {  	p0 =	seq.s32 s5, $0x0;
	s5 =	sld [smem:$0x3FB4]  }
0x2b: {  	s6 =	sld [smem:$0x3FB5]  }
0x2c: {  	s7 =	sld [smem:$0x3FB6]  }
0x2d: {  	s3 =	simm.s32 $0x108;
	s8 =	sld [smem:$0x3FB7]  }
0x2e: {  	s3 =	simm.s32 @!p0 $0x1082;
	s9 =	sld [smem:$0x3FB8]  }
0x2f: {  	lr =	sadd.s32 s0, s3;
	s0 =	sld [smem:$0x3FAF]  }
0x30: {  	s3 =	sld [smem:$0x3FB2]  }
0x31: {  	[smem:$0x3FBB] =	sst s10  }
0x32: {  	s10 =	sld [smem:$0x3FB9];
	_ =	sdelay $0x3  }
0x33: {  	p0 =	seq.s32 s10, $0x1;
	s10 =	sld [smem:$0x3FBB];
	_ =	sdelay $0x3  }
0x34: {  	[smem:$0x3FBB] =	sst s10  }
0x35: {  	s10 =	sld [smem:$0x3FBA];
	_ =	sdelay $0x3  }
0x36: {  	p1 =	seq.s32 s10, $0x1;
	s10 =	sld [smem:$0x3FBB];
	_ =	sdelay $0x3  }
0x37: {  	[smem:$0x3FBB] =	sst s10  }
0x38: {  	s10 =	sld [smem:$0x3FBC]  }
0x39: {  	_ = 	snop;
	(pc) =	sbr.ind lr, $3  }
0x3a: {  	_ = 	snop  }
0x3b: {  	_ = 	snop  }
0x3c: {  	p2 =	seq.s32 s10, $0x1;
	s10 =	sld [smem:$0x3FBB]  }
0x3d: {  	_ =	shalt  }
0x3e: {  	_ =	shalt  }
0x3f: {  	_ =	shalt  }
0x40: {  	_ =	shalt  }
0x41: {  	_ =	shalt  }
0x42: {  	_ =	shalt  }
0x43: {  	_ =	shalt  }
0x44: {  	_ =	shalt  }
0x45: {  	_ =	shalt  }
0x46: {  	_ =	shalt  }
0x47: {  	_ =	shalt  }
0x48: {  	_ =	shalt  }
0x49: {  	_ =	shalt  }
0x4a: {  	_ =	shalt  }
0x4b: {  	_ =	shalt  }
0x4c: {  	_ =	shalt  }
0x4d: {  	_ =	shalt  }
0x4e: {  	_ =	shalt  }
0x4f: {  	_ =	shalt  }
0x50: {  	_ =	shalt  }
0x51: {  	_ =	shalt  }
0x52: {  	_ =	shalt  }
0x53: {  	_ =	shalt  }
0x54: {  	_ =	shalt  }
0x55: {  	_ =	shalt  }
0x56: {  	_ =	shalt  }
0x57: {  	_ =	shalt  }
0x58: {  	_ =	shalt  }
0x59: {  	_ =	shalt  }
0x5a: {  	_ =	shalt  }
0x5b: {  	_ =	shalt  }
0x5c: {  	_ =	shalt  }
0x5d: {  	_ =	shalt  }
0x5e: {  	_ =	shalt  }
0x5f: {  	_ =	shalt  }
0x60: {  	_ =	shalt  }
0x61: {  	_ =	shalt  }
0x62: {  	_ =	shalt  }
0x63: {  	_ =	shalt  }
0x64: {  	_ =	shalt  }
0x65: {  	_ =	shalt  }
0x66: {  	_ =	shalt  }
0x67: {  	_ =	shalt  }
0x68: {  	_ =	shalt  }
0x69: {  	_ =	shalt  }
0x6a: {  	_ =	shalt  }
0x6b: {  	_ =	shalt  }
0x6c: {  	_ =	shalt  }
0x6d: {  	_ =	shalt  }
0x6e: {  	_ =	shalt  }
0x6f: {  	_ =	shalt  }
0x70: {  	_ =	shalt  }
0x71: {  	_ =	shalt  }
0x72: {  	_ =	shalt  }
0x73: {  	_ =	shalt  }
0x74: {  	_ =	shalt  }
0x75: {  	_ =	shalt  }
0x76: {  	_ =	shalt  }
0x77: {  	_ =	shalt  }
0x78: {  	_ =	shalt  }
0x79: {  	_ =	shalt  }
0x7a: {  	_ =	shalt  }
0x7b: {  	_ =	shalt  }
0x7c: {  	_ =	shalt  }
0x7d: {  	_ =	shalt  }
0x7e: {  	_ =	shalt  }
0x7f: {  	_ =	shalt  }
0x80: {  	_ =	shalt  }
0x81: {  	_ =	shalt  }
0x82: {  	_ =	shalt  }
0x83: {  	_ =	shalt  }
0x84: {  	_ =	shalt  }
0x85: {  	_ =	shalt  }
0x86: {  	_ =	shalt  }
0x87: {  	_ =	shalt  }
.Lfunc_end0:
.L_simem_size_0:
called_computation_lowered:
.L_overlay_start_0:
0x88: {  	s2 =	sld [smem:$0x3FD9]  }
0x89: {  	s3 =	sld [smem:$0x3FFE];
	_ =	sdelay $0x1  }
0x8a: {  	s1 =	srdreg.scid  }
0x8b: {  	s0 =	sand.u32 $0x1, s1  }
0x8c: {  	s17 =	sshll.u32 s0, $0xA;
	s2 =	sadd.s32 s3, s2  }
0x8d: {  	s2 =	sadd.s32 s2, s17  }
0x8e: {  	[smem:$0x3FC7] =	sst s2  }
0x8f: {  	_ = 	snop  }
0x90: {  	s2 =	sld [smem:$0x3FC9];
	(tm) =	ssettm $0x1  }
0x91: {  	s18 =	sld [smem:$0x3FFB];
	_ =	sdelay $0x3  }
0x92: {  	_ =	strace s18  }
0x93: {  	s3 =	sld [smem:$0x3FFC];
	_ =	sdelay $0x3  }
0x94: {  	_ =	strace s3  }
0x95: {  	s3 =	sld [smem:$0x3FFD];
	_ =	sdelay $0x3  }
0x96: {  	_ =	strace s3  }
0x97: {  	_ =	strace $0x8FFFFFFF  }
0x98: {  	s19 =	sld [smem:$0x3FDB];
	_ =	sdelay $0x1  }
0x99: {  	s4 =	simm.s32 $_scs_section_size  }
0x9a: {  	s5 =	simm.s32 $_size__tile_overlayer_lowered;
	s6 =	simm.s32 $_tile_overlayer_lowered  }
0x9b: {  	s22 =	simm.s32 $0x1BFF;
	s21 =	sshll.u32 s6, $0x1;
	s3 =	sadd.s32 s4, s19  }
0x9c: {  	s7 =	simm.s32 $0x0;
	s20 =	sshll.u32 s5, $0x1;
	s5 =	sadd.s32 s21, s3  }
0x9d: {  	[timem:s7], [sflag:s22] =	dma.local [hbm:s5], s20  }
0x9e: {  	_ =	swait.ge [sflag:s22], s20  }
0x9f: {  	s4 =	ssub.s32 $0x0, s20;
	[sflag:s22] =	ssyncset.done $0x0  }
0xa0: {  	[sflag:s22] =	ssyncadd.s32 s4;
	_ =	sdelay $0x1  }
0xa1: {  	s23 =	simm.s32 $0x1B8B  }
0xa2: {  	_ =	swait.ge [sflag:s23], $0x1  }
0xa3: {  	[sflag:s23] =	ssyncset.done $0x0  }
0xa4: {  	s25 =	simm.s32 $0x1B8E;
	s24 =	sld [smem:$0x3FFE];
	[sflag:s23] =	ssyncadd.s32 $0xFFFFFFFF  }
0xa5: {  	s26 =	simm.s32 $execute0_lowered;
	[smem:$0x3FD2] =	sst s25  }
0xa6: {  	s5 =	sshll.u32 s26, $0x1;
	_ =	strace $0x80000046;
	[dreg:$0x1] =	wrdreg $0xFFFFFFFF  }
0xa7: {  	s28 =	simm.s32 $_size_execute0_lowered;
	s3 =	sadd.s32 s3, s5;
	[dreg:$0x0] =	wrdreg $0x0  }
0xa8: {  	s5 =	sshll.u32 s28, $0x1;
	[dreg:$0x2] =	wrdreg s3  }
0xa9: {  	[dreg:$0x3] =	wrdreg s5  }
0xaa: {  	[dreg:$0x4] =	wrdreg $0xC0  }
0xab: {  	_ =	task [dreg:s7], $0x5FFFF  }
0xac: {  	[dreg:$0x1] =	wrdreg $0xFFFFFFFF  }
0xad: {  	[dreg:$0x0] =	wrdreg $0x60  }
0xae: {  	[dreg:$0x2] =	wrdreg s2  }
0xaf: {  	[dreg:$0x3] =	wrdreg s24  }
0xb0: {  	[dreg:$0x4] =	wrdreg $0x0  }
0xb1: {  	[dreg:$0x5] =	wrdreg $0x9  }
0xb2: {  	_ =	task.clear_ibuf [dreg:s7], $0x6FFFF;
	_ =	strace $0x90000046  }
0xb3: {  	s29 =	simm.s32 $0x9;
	_ =	strace $0x80000048  }
0xb4: {  	_ =	swait.ge [sflag:s29], $0x1  }
0xb5: {  	[sflag:s29] =	ssyncadd.s32 $0xFFFFFFFF  }
0xb6: {  	_ =	strace $0x90000048  }
0xb7: {  	_ =	sfence  }
0xb8: {  	s30 =	sld [smem:$0x0];
	_ =	sdelay $0x2  }
0xb9: {  	s31 =	sshll.u32 s1, $0xD;
	s1 =	sshrl.u32 s1, $0x2  }
0xba: {  	s3 =	sand.u32 $0x4000, s31;
	s1 =	sadd.s32 s1, s30  }
0xbb: {  	s0 =	sor.u32 s3, s0;
	s1 =	sshll.u32 s1, $0x11  }
0xbc: {  	s0 =	sor.u32 s1, s0  }
0xbd: {  	s0 =	sadd.s32 $0x8F2B, s0  }
0xbe: {  	[sflag:s0] =	ssyncadd.remote.s32 $0x1  }
0xbf: {  	_ =	sfence.sel $0xFFFF  }
0xc0: {  	[dreg:$0x0] =	wrdreg $0xFFFFFFFF;
	(pc) =	sbr.abs _section_cstart, $3  }
0xc1: {  	[dreg:$0x1] =	wrdreg $0xFFFFFFFF  }
0xc2: {  	_ =	task.clear_ibuf [dreg:s7], $0x2FFFF;
	_ =	strace $0x9FFFFFFF  }
0xc3: {  	(tm) =	ssettm $0x7FFFFFFF  }
tec
execute0_lowered:
.L_overlay_start_1:
0x0: {  	(tag) =	ssettag $0x1  }
0x1: {  	s2 =	rddreg [dreg:$0x0]  }
0x2: {  	s5 =	rddreg [dreg:$0x1]  }
0x3: {  	s3 =	rddreg [dreg:$0x2]  }
0x4: {  	s0 =	rddreg [dreg:$0x3]  }
0x5: {  	s1 =	stileid.u32;
	s6 =	srdreg.scid  }
0x6: {  	s4 =	simm.s32 $0x0;
	s14 =	simm.s32 $0x1;
	s15 =	simm.s32 $0x2800  }
0x7: {  	s16 =	simm.s32 $0x80;
	s17 =	simm.s32 $0x2880;
	s7 =	smul.u32 $0x2800, s1  }
0x8: {  	s20 =	simm.s32 $0x0;
	s13 =	sand.u32 $0x1, s6;
	s8 =	smul.u32 $0x50000, s1  }
0x9: {  	[smem:$0x7FF] =	sst s4;
	s12 =	smul.u32 $0x500, s1;
	s18 =	sshll.u32 s1, $0x6  }
0xa: {  	s6 =	ssub.s32 $0x2, s13;
	_ =	strace $0x80000047;
	p0 =	sne.s32 s13, $0x0  }
.Ltmp0:
0xb: {  	s13 =	simm.s32 $0x6880;
	s18 =	sor.u32 $0x1C01, s18;
	(pc) =	sbr.rel .LBB2_1-.Ltmp0, $4  }
0xc: {  	s9 =	sshrl.u32 s6, $0x1;
	s7 =	sadd.s32 s7, s5;
	s31 =	sshrl.u32 s8, $0x2  }
0xd: {  	s9 =	ssub.s32 s6, s9;
	s5 =	sadd.s32 s31, s3;
	s6 =	sadd.s32 $0x400, s7  }
0xe: {  	s7 =	smax.u32 s9, $0x1;
	s8 =	sadd.s32 $0x4000, s5;
	s9 =	sadd.s32 $0x8000, s5  }
0xf: {  	v0 =	vimm.f32 $1.000000000e+00;
	v1 =	vimm.f32 $0.0e+00;
	s10 =	sadd.s32 $0xC000, s5;
	s11 =	sadd.s32 $0x10000, s5;
	s19 =	sshrl.u32 s5, $0x3  }
.LBB2_9:
0x10: {  	[bflag:$0x0] =	sbarrier.arrive $0xFFFF  }
0x11: {  	[bflag:$0x0] =	sbarrier.arrive $0xFFFF  }
.LBB2_7:
0x12: {  	s20 =	sadd.s32 $0x1, s20  }
0x13: {  	p1 =	sne.s32 s20, s7  }
.Ltmp1:
0x14: {  	_ = 	snop;
	(pc) =	sbr.rel @!p1 .LBB2_8-.Ltmp1, $1  }
0x15: {  	_ =	sdelay $0x3  }
.LBB2_1:
0x16: {  	s21 =	simm.s32 $0x200;
	s22 =	simm.s32 $0x0  }
.LBB2_2:
0x17: {  	p1 =	sne.s32 s21, $0xFE00;
	[tilespmem:s22+$0x2880] =	vst v0;
	s23 =	smov.u32 s21;
	s21 =	sadd.s32 $0x200, s21  }
.Ltmp2:
0x18: {  	[tilespmem:s22+$0x6880] =	vst v1;
	(pc) =	sbr.rel @p1 .LBB2_2-.Ltmp2, $2  }
0x19: {  	_ =	sdelay $0x2  }
0x1a: {  	s22 =	sshra.s32 s23, $0x2  }
.Ltmp3:
0x1b: {  	(pc) =	sbr.rel @p0 .LBB2_9-.Ltmp3, $3  }
0x1c: {  	_ =	sdelay $0x1  }
0x1d: {  	[tilespmem:s22+$0x2880] =	vst v0  }
0x1e: {  	[tilespmem:s22+$0x6880] =	vst v1  }
0x1f: {  	[spmem:s5] =	stream.linear.scatter [tilespmem:s13], [sflag:$0x1], $0x4000, $0x38;
	[tilespmem:$0xA880] =	vst v63  }
0x20: {  	_ =	swait.ge [sflag:s14], $0x4000  }
0x21: {  	[sflag:s14] =	ssyncset.done $0x0  }
0x22: {  	[sflag:s14] =	ssyncadd.s32 $0xFFFFC000  }
0x23: {  	[spmem:s8] =	stream.linear.scatter [tilespmem:s13], [sflag:$0x1], $0x4000, $0x38;
	[tilespmem:$0xA880] =	vst v63  }
0x24: {  	_ =	swait.ge [sflag:s14], $0x4000  }
0x25: {  	[sflag:s14] =	ssyncset.done $0x0  }
0x26: {  	[sflag:s14] =	ssyncadd.s32 $0xFFFFC000  }
0x27: {  	[spmem:s9] =	stream.linear.scatter [tilespmem:s13], [sflag:$0x1], $0x4000, $0x38;
	[tilespmem:$0xA880] =	vst v63  }
0x28: {  	_ =	swait.ge [sflag:s14], $0x4000  }
0x29: {  	[sflag:s14] =	ssyncset.done $0x0  }
0x2a: {  	[sflag:s14] =	ssyncadd.s32 $0xFFFFC000  }
0x2b: {  	[spmem:s10] =	stream.linear.scatter [tilespmem:s13], [sflag:$0x1], $0x4000, $0x38;
	[tilespmem:$0xA880] =	vst v63  }
0x2c: {  	_ =	swait.ge [sflag:s14], $0x4000  }
0x2d: {  	[sflag:s14] =	ssyncset.done $0x0  }
0x2e: {  	[sflag:s14] =	ssyncadd.s32 $0xFFFFC000  }
0x2f: {  	[spmem:s11] =	stream.linear.scatter [tilespmem:s13], [sflag:$0x1], $0x4000, $0x38;
	[tilespmem:$0xA880] =	vst v63  }
0x30: {  	s21 =	simm.s32 $0x0;
	_ =	swait.ge [sflag:s14], $0x4000  }
0x31: {  	s22 =	sadd.s32 $0x0, s12;
	s21 =	sand.u32 $0x70, s21;
	[sflag:s14] =	ssyncset.done $0x0  }
0x32: {  	s22 =	sand.u32 $0xFF80, s22;
	s21 =	sadd.s32 s2, s21;
	[sflag:s14] =	ssyncadd.s32 $0xFFFFC000  }
0x33: {  	s21 =	sadd.s32 s22, s21;
	[bflag:$0x0] =	sbarrier.arrive $0xFFFF  }
0x34: {  	[tilespmem:s15], [sflag:$0x1] =	stream.linear.gather [hbm4b:s21+s4], $0x80, $0x38;
	[tilespmem:$0xA880] =	vst v63  }
0x35: {  	_ =	swait.ge [sflag:s14], $0x80  }
0x36: {  	[sflag:s14] =	ssyncset.done $0x0  }
0x37: {  	s31 =	simm.s32 $0x10;
	s23 =	sadd.s32 $0x10, s12;
	[sflag:s14] =	ssyncadd.s32 $0xFFFFFF80  }
0x38: {  	[spmem:s3] =	stream.indirect.scatter.add.f32 [tilespmem:s17], [sflag:$0x1], $0x10, s15, s16, $0xb8;
	[tilespmem:$0xA880] =	vst v63  }
0x39: {  	s24 =	sand.u32 $0x70, s31;
	s22 =	sand.u32 $0xFF80, s23;
	_ =	swait.ge [sflag:s14], $0x800  }
0x3a: {  	s23 =	sadd.s32 s2, s24;
	s21 =	simm.s32 $0x20;
	[sflag:s14] =	ssyncset.done $0x0  }
.LBB2_5:
0x3b: {  	s22 =	sadd.s32 s22, s23  }
0x3c: {  	[sflag:s14] =	ssyncadd.s32 $0xFFFFF800;
	s23 =	smov.u32 s21;
	s24 =	sadd.s32 $0x10, s21  }
0x3d: {  	[tilespmem:s15], [sflag:$0x1] =	stream.linear.gather [hbm4b:s22+s4], $0x80, $0x38;
	[tilespmem:$0xA880] =	vst v63  }
0x3e: {  	p1 =	seq.s32 s21, $0x4F0;
	_ =	swait.ge [sflag:s14], $0x80  }
.Ltmp4:
0x3f: {  	[sflag:s14] =	ssyncset.done $0x0;
	(pc) =	sbr.rel @!p1 .LBB2_5-.Ltmp4, $4  }
0x40: {  	s21 =	sadd.s32 s23, s12;
	[sflag:s14] =	ssyncadd.s32 $0xFFFFFF80  }
0x41: {  	[spmem:s3] =	stream.indirect.scatter.add.f32 [tilespmem:s17], [sflag:$0x1], $0x10, s15, s16, $0xb8;
	[tilespmem:$0xA880] =	vst v63  }
0x42: {  	s23 =	sand.u32 $0x70, s23;
	s22 =	sand.u32 $0xFF80, s21;
	_ =	swait.ge [sflag:s14], $0x800  }
0x43: {  	s23 =	sadd.s32 s2, s23;
	s21 =	smov.u32 s24;
	[sflag:s14] =	ssyncset.done $0x0  }
0x44: {  	s21 =	sadd.s32 s22, s23;
	[sflag:s14] =	ssyncadd.s32 $0xFFFFF800  }
0x45: {  	[tilespmem:s15], [sflag:$0x1] =	stream.linear.gather [hbm4b:s21+s4], $0x80, $0x38;
	[tilespmem:$0xA880] =	vst v63  }
0x46: {  	_ =	swait.ge [sflag:s14], $0x80  }
0x47: {  	[sflag:s14] =	ssyncset.done $0x0  }
0x48: {  	[sflag:s14] =	ssyncadd.s32 $0xFFFFFF80  }
0x49: {  	[spmem:s3] =	stream.indirect.scatter.add.f32 [tilespmem:s17], [sflag:$0x1], $0x10, s15, s16, $0xb8;
	[tilespmem:$0xA880] =	vst v63  }
0x4a: {  	_ =	swait.ge [sflag:s14], $0x800  }
0x4b: {  	[sflag:s14] =	ssyncset.done $0x0  }
0x4c: {  	[sflag:s14] =	ssyncadd.s32 $0xFFFFF800  }
.Ltmp5:
0x4d: {  	[bflag:$0x0] =	sbarrier.arrive $0xFFFF;
	(pc) =	sbr.rel .LBB2_7-.Ltmp5, $4  }
0x4e: {  	[hbm:s6], [sflag:s18] =	dma.local [spmem:s19], $0x2800  }
0x4f: {  	_ =	swait.ge [sflag:s14], $0x2800  }
0x50: {  	[sflag:s14] =	ssyncset.done $0x0  }
0x51: {  	[sflag:s14] =	ssyncadd.s32 $0xFFFFD800  }
.LBB2_8:
0x52: {  	_ =	sfence.sel $0x180000  }
0x53: {  	[bflag:$0x0] =	sbarrier.arrive $0xFFFF  }
0x54: {  	p0 =	sne.s32 s1, $0x0;
	_ =	strace $0x90000047  }
0x55: {  	s0 =	sadd.s32 @!p0 $0x100000, s0;
	[bflag:$0x2] =	sbarrier.arrive $0xFFFF  }
0x56: {  	[sflag:s0] =	ssyncadd.tile.s32 @!p0 $0x1;
	_ =	shalt  }
.Lfunc_end2:
_tile_overlayer_lowered:
.L_overlay_start_2:
0x57: {  	(tag) =	ssettag $0x2  }
0x58: {  	s0 =	rddreg [dreg:$0x0];
	s2 =	stileid.u32  }
0x59: {  	s1 =	rddreg [dreg:$0x1];
	p0 =	sne.s32 s2, $0x0  }
0x5a: {  	s3 =	rddreg [dreg:$0x2];
	[bflag:$0x3] =	sbarrier.arrive $0xFFFF;
	s2 =	simm.s32 @!p0 $0x1C01  }
0x5b: {  	[timem:s3], [sflag:s2] =	dma.local @!p0 [hbm:s0], s1  }
0x5c: {  	s0 =	simm.s32 @!p0 $0x1  }
0x5d: {  	_ =	swait.ge @!p0 [sflag:s0], s1  }
0x5e: {  	s1 =	ssub.s32 @!p0 $0x0, s1;
	[sflag:s0] =	ssyncset.done @!p0 $0x0  }
0x5f: {  	[sflag:s0] =	ssyncadd.s32 @!p0 s1  }
0x60: {  	[bflag:$0x3] =	sbarrier.arrive $0xFFFF  }
0x61: {  	_ =	shalt  }

</sc_bundles>
